<compile_context>
chip_gen: v7x
topology: tpu7x:2x2x1
jax: 0.10.2.dev20260603
libtpu: 0.0.44.dev20260713+nightly
codegen_flags: <defaults>
</compile_context>

<pallas_src>
import functools

import jax
import jax.numpy as jnp
from jax.experimental import pallas as pl

_D = 128
_BB = 64
_LP = 256


def _tile_kernel(w_ref, o_ref):
    o_ref[...] = jnp.broadcast_to(w_ref[0, 0], (_D, _BB, _LP))


@functools.partial(jax.jit, static_argnums=(1, 2))
def _run(wh, b, l):
    out = pl.pallas_call(
        _tile_kernel,
        grid=(b // _BB,),
        in_specs=[pl.BlockSpec((8, _D), lambda i: (0, 0))],
        out_specs=pl.BlockSpec((_D, _BB, _LP), lambda i: (0, i, 0)),
        out_shape=jax.ShapeDtypeStruct((_D, b, _LP), jnp.float32),
    )(wh)
    return out[:, :, :l]


def kernel(x, minute_w, hour_w, weekday_w, day_w, month_w):
    b, l, _ = x.shape
    return _run(minute_w[:8], b, l)

# --- scband reference (transcript-rebuilt; emitter-appended) ---
"""Pipeline reference for scband-cat-temporal-embedding-1580547966498 (READ-ONLY COPY).

The authoritative reference and input builder live on the scoring server;
editing this copy changes nothing except your own understanding.
"""

import jax, jax.numpy as jnp
import numpy as np

D = 128
B = 4096
L = 200

def setup_inputs(seed: int = 0) -> dict:
    key = jax.random.key(seed)
    k_x, k_min, k_hr, k_wd, k_day, k_mon = jax.random.split(key, 6)
    x = jax.random.randint(k_x, (B, L, 5), 0, 4, dtype=jnp.int64)
    minute_w = jax.random.normal(k_min, (4, D), dtype=jnp.float32)
    hour_w = jax.random.normal(k_hr, (24, D), dtype=jnp.float32)
    weekday_w = jax.random.normal(k_wd, (7, D), dtype=jnp.float32)
    day_w = jax.random.normal(k_day, (32, D), dtype=jnp.float32)
    month_w = jax.random.normal(k_mon, (13, D), dtype=jnp.float32)
    return {"x": x, "minute_w": minute_w, "hour_w": hour_w, "weekday_w": weekday_w, "day_w": day_w, "month_w": month_w}

def reference(x, minute_w, hour_w, weekday_w, day_w, month_w):
    xi = x.astype(jnp.int32)
    minute_x = jnp.take(minute_w, xi[:, :, 4], axis=0)
    hour_x = jnp.take(hour_w, xi[:, :, 3], axis=0)
    weekday_x = jnp.take(weekday_w, xi[:, :, 2], axis=0)
    day_x = jnp.take(day_w, xi[:, :, 1], axis=0)
    month_x = jnp.take(month_w, xi[:, :, 0], axis=0)
    temporal_embed = hour_x + weekday_x + day_x + month_x + minute_x
    # permute(2, 0, 1): [B, L, D] -> [D, B, L]
    return jnp.transpose(temporal_embed, (2, 0, 1))

if __name__ == "__main__":
    import jax
    _d = setup_inputs()
    print(jax.jit(kernel)(*tuple(_d.values())))

</pallas_src>

<mosaic_0001>
module attributes {stable_mosaic.version = 14 : i64} {
  func.func @_tile_kernel(%arg0: i32, %arg1: memref<8x128xf32, #tpu.memory_space<vmem>>, %arg2: memref<128x64x256xf32, #tpu.memory_space<vmem>>) attributes {dimension_semantics = [#tpu.dimension_semantics<arbitrary>], iteration_bounds = array<i64: 64>, scalar_prefetch = 0 : i64, scratch_operands = 0 : i64, tpu.core_type = #tpu.core_type<tc>, window_params = [{transform_indices = @transform_0, window_bounds = array<i64: 8, 128>}, {transform_indices = @transform_1, window_bounds = array<i64: 128, 64, 256>}]} {
    %get3A = arith.constant 0 : index
    %get3A_0 = arith.constant 0 : index
    %get3A_1 = vector.load %arg1[%get3A, %get3A_0] : memref<8x128xf32, #tpu.memory_space<vmem>>, vector<1x1xf32>
    %get3A_2 = vector.extract %get3A_1[0, 0] : f32 from vector<1x1xf32>
    %broadcast_in_dim3A = vector.broadcast %get3A_2 : f32 to vector<128x64x256xf32>
    %swap3A = arith.constant 0 : index
    %swap3A_3 = arith.constant 0 : index
    %swap3A_4 = arith.constant 0 : index
    %swap3A_5 = vector.load %arg2[%swap3A, %swap3A_3, %swap3A_4] : memref<128x64x256xf32, #tpu.memory_space<vmem>>, vector<128x64x256xf32>
    tpu.vector_store %arg2[%swap3A, %swap3A_3, %swap3A_4], %broadcast_in_dim3A {strides = array<i32>} : memref<128x64x256xf32, #tpu.memory_space<vmem>>, vector<128x64x256xf32>,
    return
  }
  func.func @transform_0(%arg0: i32) -> (i32, i32) {
    %c0_i32 = arith.constant 0 : i32
    %c0_i32_0 = arith.constant 0 : i32
    %c0_i32_1 = arith.constant 0 : i32
    return %c0_i32, %c0_i32_0 : i32, i32
  }
  func.func @transform_1(%arg0: i32) -> (i32, i32, i32) {
    %c0_i32 = arith.constant 0 : i32
    %c0_i32_0 = arith.constant 0 : i32
    %c0_i32_1 = arith.constant 0 : i32
    return %c0_i32, %arg0, %c0_i32_0 : i32, i32, i32
  }
}

</mosaic_0001>

<sc_bundles>
// kernel: sparse-core-data-format-call.cloned.1.call-start
scs
called_computation_lowered:
.L_overlay_start_0:
0x0: {  	s2 =	sld [smem:$0x3FD9]  }
0x1: {  	s3 =	sld [smem:$0x3FFE];
	_ =	sdelay $0x1  }
0x2: {  	s1 =	srdreg.scid  }
0x3: {  	s0 =	sand.u32 $0x1, s1  }
0x4: {  	s18 =	sshll.u32 s0, $0xA;
	s2 =	sadd.s32 s3, s2  }
0x5: {  	s2 =	sadd.s32 s2, s18  }
0x6: {  	[smem:$0x3FC7] =	sst s2  }
0x7: {  	_ = 	snop  }
0x8: {  	s2 =	sld [smem:$0x3FD0];
	(tm) =	ssettm $0x1  }
0x9: {  	s19 =	sld [smem:$0x3FFB];
	_ =	sdelay $0x3  }
0xa: {  	_ =	strace s19  }
0xb: {  	s3 =	sld [smem:$0x3FFC];
	_ =	sdelay $0x3  }
0xc: {  	_ =	strace s3  }
0xd: {  	s3 =	sld [smem:$0x3FFD];
	_ =	sdelay $0x3  }
0xe: {  	_ =	strace s3  }
0xf: {  	_ =	strace $0x8FFFFFFF  }
0x10: {  	s20 =	sld [smem:$0x3FDB];
	_ =	sdelay $0x1  }
0x11: {  	s4 =	simm.s32 $_scs_section_size  }
0x12: {  	s5 =	simm.s32 $_size__tile_overlayer_lowered;
	s6 =	simm.s32 $_tile_overlayer_lowered  }
0x13: {  	s23 =	simm.s32 $0x1BFF;
	s22 =	sshll.u32 s6, $0x1;
	s3 =	sadd.s32 s4, s20  }
0x14: {  	s7 =	simm.s32 $0x0;
	s21 =	sshll.u32 s5, $0x1;
	s5 =	sadd.s32 s22, s3  }
0x15: {  	[timem:s7], [sflag:s23] =	dma.local [hbm:s5], s21  }
0x16: {  	_ =	swait.ge [sflag:s23], s21  }
0x17: {  	s4 =	ssub.s32 $0x0, s21;
	[sflag:s23] =	ssyncset.done $0x0  }
0x18: {  	[sflag:s23] =	ssyncadd.s32 s4;
	_ =	sdelay $0x1  }
0x19: {  	s24 =	simm.s32 $0x1B8B  }
0x1a: {  	_ =	swait.ge [sflag:s24], $0x1  }
0x1b: {  	[sflag:s24] =	ssyncset.done $0x0  }
0x1c: {  	s26 =	simm.s32 $0x1B8E;
	s25 =	sld [smem:$0x3FFE];
	[sflag:s24] =	ssyncadd.s32 $0xFFFFFFFF  }
0x1d: {  	s27 =	simm.s32 $execute0_lowered;
	[smem:$0x3FD2] =	sst s26  }
0x1e: {  	s5 =	sshll.u32 s27, $0x1;
	_ =	strace $0x80000046;
	[dreg:$0x1] =	wrdreg $0xFFFFFFFF  }
0x1f: {  	s28 =	simm.s32 $_size_execute0_lowered;
	s3 =	sadd.s32 s3, s5;
	[dreg:$0x0] =	wrdreg $0x0  }
0x20: {  	s5 =	sshll.u32 s28, $0x1;
	[dreg:$0x2] =	wrdreg s3  }
0x21: {  	[dreg:$0x3] =	wrdreg s5  }
0x22: {  	[dreg:$0x4] =	wrdreg $0xC0  }
0x23: {  	_ =	task [dreg:s7], $0x5FFFF  }
0x24: {  	[dreg:$0x1] =	wrdreg $0xFFFFFFFF  }
0x25: {  	[dreg:$0x0] =	wrdreg $0x60  }
0x26: {  	[dreg:$0x2] =	wrdreg s25  }
0x27: {  	[dreg:$0x3] =	wrdreg s2  }
0x28: {  	[dreg:$0x4] =	wrdreg $0x9  }
0x29: {  	_ =	task.clear_ibuf [dreg:s7], $0x5FFFF;
	_ =	strace $0x90000046  }
0x2a: {  	s29 =	simm.s32 $0x9;
	_ =	strace $0x80000048  }
0x2b: {  	_ =	swait.ge [sflag:s29], $0x1  }
0x2c: {  	[sflag:s29] =	ssyncadd.s32 $0xFFFFFFFF  }
0x2d: {  	_ =	strace $0x90000048  }
0x2e: {  	_ =	sfence  }
0x2f: {  	s30 =	sld [smem:$0x0];
	_ =	sdelay $0x2  }
0x30: {  	s31 =	sshll.u32 s1, $0xD;
	s1 =	sshrl.u32 s1, $0x2  }
0x31: {  	s3 =	sand.u32 $0x4000, s31;
	s1 =	sadd.s32 s1, s30  }
0x32: {  	s0 =	sor.u32 s3, s0;
	s1 =	sshll.u32 s1, $0x11  }
0x33: {  	s0 =	sor.u32 s1, s0  }
0x34: {  	s0 =	sadd.s32 $0x8F2B, s0  }
0x35: {  	[sflag:s0] =	ssyncadd.remote.s32 $0x1  }
0x36: {  	_ =	sfence.sel $0xFFFF  }
0x37: {  	[dreg:$0x0] =	wrdreg $0xFFFFFFFF;
	(pc) =	sbr.abs _section_cstart, $3  }
0x38: {  	[dreg:$0x1] =	wrdreg $0xFFFFFFFF  }
0x39: {  	_ =	task.clear_ibuf [dreg:s7], $0x2FFFF;
	_ =	strace $0x9FFFFFFF  }
0x3a: {  	(tm) =	ssettm $0x7FFFFFFF  }
0x3b: {  	_ =	shalt  }
tec
execute0_lowered:
.L_overlay_start_1:
0x0: {  	(tag) =	ssettag $0x1  }
0x1: {  	s1 =	rddreg [dreg:$0x0]  }
0x2: {  	s2 =	rddreg [dreg:$0x1]  }
0x3: {  	s0 =	rddreg [dreg:$0x2]  }
0x4: {  	s4 =	srdreg.scid;
	_ =	strace $0x80000047;
	s6 =	simm.s32 $0x2  }
0x5: {  	s14 =	simm.s32 $0x0;
	p0 =	por $0x0, $0x0;
	s15 =	simm.s32 $0x0  }
0x6: {  	s16 =	simm.s32 $0x0;
	s7 =	simm.s32 $0x0;
	s9 =	simm.s32 $0x0  }
.Ltmp0:
0x7: {  	s10 =	simm.s32 $0x0;
	s11 =	simm.s32 $0x0;
	(pc) =	sbr.rel .LBB1_1-.Ltmp0, $4  }
0x8: {  	s12 =	simm.s32 $0x0;
	s3 =	sadd.s32 $0x600, s1;
	s4 =	sshll.u32 s4, $0x4  }
0x9: {  	s1 =	stileid.u32;
	s5 =	sand.u32 $0x10, s4;
	s4 =	simm.s32 $0x1  }
0xa: {  	s8 =	simm.s32 $0x0;
	s5 =	sor.u32 s1, s5;
	[sflag:s4] =	ssyncpa.u1 $0x0  }
0xb: {  	[sflag:s6] =	ssyncpa.u1 $0x0;
	s6 =	simm.s32 $0x8000;
	s13 =	smov.u32 s5  }
.LBB1_5:
0xc: {  	p1 =	slt.u32 s8, $0x2  }
0xd: {  	p2 =	sgt.s32 @!p1 s16, $0x7F  }
0xe: {  	s17 =	smov.u32 s16;
	s18 =	sshra.s32 @!p1 s16, $0x1F;
	p2 =	por !p2, p1  }
0xf: {  	s16 =	sand.u32 @!p1 s18, s16;
	s17 =	simm.s32 @p2 $0x7F  }
0x10: {  	p3 =	sgt.s32 @!p1 s15, $0xF80;
	s16 =	ssub.s32 @!p1 s17, s16  }
0x11: {  	p3 =	por !p3, p1;
	s18 =	sshra.s32 @!p1 s15, $0x1F;
	s17 =	sadd.s32 @!p1 $0xFFFFFF81, s16  }
0x12: {  	s16 =	ssub.s32 @!p1 $0x80, s16;
	p2 =	sgt.s32 @!p1 s17, $0x0;
	s17 =	smov.u32 s15  }
0x13: {  	s15 =	sand.u32 @!p1 s18, s15;
	s17 =	simm.s32 @p3 $0xF80;
	p3 =	sgt.s32 @!p1 s14, $0x48  }
0x14: {  	s18 =	smov.u32 s14;
	p2 =	por !p2, p1;
	p3 =	por !p3, p1  }
0x15: {  	s15 =	ssub.s32 @!p1 s17, s15;
	s17 =	sshra.s32 @!p1 s14, $0x1F;
	s16 =	simm.s32 @!p2 $0x0  }
0x16: {  	s18 =	simm.s32 @p3 $0x48;
	s14 =	sand.u32 @!p1 s17, s14;
	s17 =	sadd.s32 @!p1 $0xFFFFF080, s15  }
0x17: {  	s15 =	ssub.s32 @!p1 $0x1000, s15;
	s14 =	ssub.s32 @!p1 s18, s14;
	p2 =	sgt.s32 @!p1 s17, $0x7F  }
0x18: {  	s18 =	smov.u32 s12;
	s17 =	sadd.s32 @!p1 $0xFFFFFFB8, s14;
	p2 =	por !p2, p1  }
0x19: {  	s14 =	ssub.s32 @!p1 $0xC8, s14;
	p3 =	sgt.s32 @!p1 s17, $0x7F;
	s15 =	simm.s32 @!p2 $0x0  }
0x1a: {  	s17 =	sadd.s32 $0x80, s11;
	p2 =	por !p3, p1;
	s15 =	smul.u32 @!p1 s16, s15  }
0x1b: {  	s16 =	sadd.s32 $0x80, s12;
	s14 =	simm.s32 @!p2 $0x0;
	p2 =	sgt.s32 s17, $0xC7  }
0x1c: {  	s19 =	smov.u32 s13;
	s18 =	smov.u32 @p2 s16  }
0x1d: {  	s14 =	smul.u32 @!p1 s14, s15;
	s15 =	sadd.s32 $0x20, s13;
	p3 =	sgt.s32 s18, $0xFFF  }
0x1e: {  	s8 =	sadd.s32 $0x1, s8;
	p0 =	por !p0, !p0;
	s19 =	smov.u32 @p3 s15  }
0x1f: {  	s20 =	simm.s32 @!p1 $0x2;
	s17 =	simm.s32 @p2 $0x0;
	p2 =	sgt.s32 s19, $0x7F  }
0x20: {  	s16 =	smov.u32 s10;
	s19 =	smov.u32 @p2 s5;
	p2 =	sne.s32 s8, $0x102  }
.Ltmp1:
0x21: {  	s10 =	smov.u32 s13;
	s14 =	sand.u32 @!p1 $0x3FFFFFFF, s14;
	(pc) =	sbr.rel @!p2 .LBB1_6-.Ltmp1, $4  }
0x22: {  	s18 =	simm.s32 @p3 $0x0;
	s15 =	smov.u32 s9;
	s9 =	smov.u32 s12  }
0x23: {  	_ =	swait.ge @!p1 [sflag:s20], s14;
	s21 =	ssub.s32 @!p1 $0x0, s14;
	s14 =	smov.u32 s7  }
0x24: {  	s7 =	smov.u32 s11;
	s11 =	smov.u32 s17;
	[sflag:s20] =	ssyncset.done @!p1 $0x0  }
0x25: {  	s12 =	smov.u32 s18;
	[sflag:s20] =	ssyncadd.s32 @!p1 s21;
	s13 =	smov.u32 s19  }
.LBB1_1:
0x26: {  	p1 =	sgt.u32 s8, $0xFF  }
0x27: {  	s17 =	sxor.u32 @!p1 $0xFFFFFFFF, s8  }
0x28: {  	s18 =	sshll.u32 @!p1 s12, $0x8;
	s19 =	sshll.u32 @!p1 s11, $0x3;
	s20 =	sshll.u32 @!p1 s12, $0x7  }
0x29: {  	s21 =	sand.u32 @!p1 $0x78, s11;
	s18 =	sand.u32 @!p1 $0xFF800, s18;
	s19 =	sand.u32 @!p1 $0xFFC00, s19  }
0x2a: {  	s17 =	sshll.u32 @!p1 s17, $0xE;
	s18 =	sadd.s32 @!p1 s18, s19;
	s19 =	sand.u32 @!p1 $0x300, s20  }
0x2b: {  	s17 =	sand.u32 @!p1 $0x4000, s17;
	s18 =	sor.u32 @!p1 s19, s18;
	s19 =	sand.u32 @!p1 $0x80, s20  }
0x2c: {  	s20 =	sshll.u32 @!p1 s13, $0x11;
	s19 =	sor.u32 @!p1 s21, s19;
	s18 =	sshrl.u32 @!p1 s18, $0x3  }
0x2d: {  	s20 =	sadd.s32 @!p1 s3, s20;
	s21 =	sand.u32 @!p1 $0x7, s11;
	s19 =	sshrl.u32 @!p1 s19, $0x3  }
0x2e: {  	s18 =	sand.u32 @!p1 $0x1FFE0, s18;
	s19 =	sadd.s32 @!p1 s19, s20;
	s20 =	sshll.u32 @!p1 s21, $0x12  }
0x2f: {  	s18 =	sadd.s32 @!p1 s18, s19;
	s19 =	sor.u32 @!p1 $0x400, s20;
	s20 =	simm.s32 @!p1 $0x800  }
0x30: {  	[tilespmem:s17], [sflag:$0x1] =	stream.strided.gather @!p1 [hbm4b:s18+s19], $0x4000, s20, s19, $0x38;
	[tilespmem:$0x10100] =	vst v63  }
0x31: {  	p1 =	seq.s32 s8, $0x0  }
0x32: {  	p2 =	seq.s32 @!p1 s8, $0x101  }
0x33: {  	p1 =	por p1, p2  }
.Ltmp2:
0x34: {  	_ = 	snop;
	(pc) =	sbr.rel @p1 .LBB1_5-.Ltmp2, $1  }
0x35: {  	_ =	sdelay $0x3  }
0x36: {  	s17 =	simm.s32 $0x1  }
0x37: {  	_ =	swait.ge [sflag:s4], $0x4000;
	s17 =	simm.s32 @!p0 $0x0  }
0x38: {  	[sflag:s4] =	ssyncset.done $0x0;
	s18 =	sshll.u32 s17, $0xE  }
0x39: {  	[sflag:s4] =	ssyncadd.s32 $0xFFFFC000;
	s18 =	sor.u32 $0x40, s18  }
0x3a: {  	s17 =	smul.u32 $0x10200, s17;
	v0 =	vld [tilespmem:s18+$0x30]  }
0x3b: {  	v1 =	vld [tilespmem:s18+$0xFFFFFFD0]  }
0x3c: {  	s17 =	sshrl.u32 s17, $0x2;
	v5 =	vld [tilespmem:s18+$0xFFFFFFE0]  }
0x3d: {  	v6 =	vld [tilespmem:s18+$0xFFFFFFF0];
	s20 =	sor.u32 $0x8000, s17  }
0x3e: {  	s31 =	sand.u32 $0x1, s8;
	v4 =	vld [tilespmem:s18+$0x0];
	s19 =	sadd.s32 $0x0, s20  }
0x3f: {  	v3 =	vld [tilespmem:s18+$0x10];
	s17 =	smul.u32 $0x10200, s31;
	[tilespmem:s19+$0x3870 ss:$0x81] =	vst.msk $0xffff, v0  }
0x40: {  	v2 =	vld [tilespmem:s18+$0x20];
	[tilespmem:s19+$0x810 ss:$0x81] =	vst.msk $0xffff, v1  }
0x41: {  	s17 =	sshrl.u32 s17, $0x2;
	v1 =	vld [tilespmem:s18+$0xFFFFFFC0];
	[tilespmem:s19+$0x1020 ss:$0x81] =	vst.msk $0xffff, v5;
	s18 =	sadd.s32 $0x80, s18  }
0x42: {  	s21 =	simm.s32 $0x4;
	s22 =	simm.s32 $0x8;
	s17 =	sor.u32 $0x8000, s17;
	[tilespmem:s19+$0x1830 ss:$0x81] =	vst.msk $0xffff, v6;
	v0 =	vld [tilespmem:s18+$0x30]  }
.LBB1_3:
0x43: {  	p1 =	sne.s32 s22, $0x1FC;
	v5 =	vld [tilespmem:s18+$0xFFFFFFD0];
	[tilespmem:s19+$0x2040 ss:$0x81] =	vst.msk $0xffff, v4  }
0x44: {  	v6 =	vld [tilespmem:s18+$0xFFFFFFE0];
	[tilespmem:s19+$0x2850 ss:$0x81] =	vst.msk $0xffff, v3  }
0x45: {  	s23 =	sshra.s32 s21, $0x2;
	s21 =	smov.u32 s22;
	v7 =	vld [tilespmem:s18+$0xFFFFFFF0];
	[tilespmem:s19+$0x3060 ss:$0x81] =	vst.msk $0xffff, v2  }
.Ltmp3:
0x46: {  	v4 =	vld [tilespmem:s18+$0x0];
	[tilespmem:s19+$0x0 ss:$0x81] =	vst.msk $0xffff, v1;
	s19 =	sadd.s32 s23, s20;
	(pc) =	sbr.rel @p1 .LBB1_3-.Ltmp3, $4  }
0x47: {  	v3 =	vld [tilespmem:s18+$0x10];
	[tilespmem:s19+$0x3870 ss:$0x81] =	vst.msk $0xffff, v0  }
0x48: {  	[tilespmem:s19+$0x810 ss:$0x81] =	vst.msk $0xffff, v5;
	v2 =	vld [tilespmem:s18+$0x20]  }
0x49: {  	v1 =	vld [tilespmem:s18+$0xFFFFFFC0];
	[tilespmem:s19+$0x1020 ss:$0x81] =	vst.msk $0xffff, v6;
	s18 =	sadd.s32 $0x80, s18  }
0x4a: {  	s22 =	sadd.s32 $0x4, s22;
	v0 =	vld [tilespmem:s18+$0x30];
	[tilespmem:s19+$0x1830 ss:$0x81] =	vst.msk $0xffff, v7  }
0x4b: {  	s21 =	sshra.s32 s21, $0x2;
	s28 =	sshll.u32 s7, $0xC;
	p1 =	sgt.s32 s10, $0x7F  }
0x4c: {  	s22 =	smov.u32 s10;
	s23 =	sshra.s32 s10, $0x1F;
	s24 =	sshll.u32 s9, $0x3  }
0x4d: {  	s26 =	smov.u32 s9;
	s27 =	sshra.s32 s9, $0x1F;
	s30 =	sshra.s32 s7, $0x1F  }
0x4e: {  	s20 =	sadd.s32 s21, s20;
	s22 =	simm.s32 @!p1 $0x7F;
	s23 =	sand.u32 s23, s10  }
0x4f: {  	s21 =	sand.u32 $0xFFFF8000, s28;
	s25 =	sand.u32 $0xFFFFFC00, s24;
	p1 =	sgt.s32 s7, $0x48  }
0x50: {  	s29 =	sand.u32 s27, s9;
	s27 =	sshll.u32 s7, $0x7;
	s22 =	ssub.s32 s22, s23  }
0x51: {  	s21 =	sadd.s32 s25, s21;
	s25 =	smov.u32 s7;
	s23 =	sadd.s32 $0xFFFFFF81, s22  }
0x52: {  	s25 =	simm.s32 @!p1 $0x48;
	p1 =	sgt.s32 s9, $0xF80;
	s21 =	sshrl.u32 s21, $0xC  }
0x53: {  	v5 =	vld [tilespmem:s18+$0xFFFFFFD0];
	[tilespmem:s19+$0x2040 ss:$0x81] =	vst.msk $0xffff, v4;
	s22 =	ssub.s32 $0x80, s22;
	s26 =	simm.s32 @!p1 $0xF80;
	p1 =	sgt.s32 s23, $0x0  }
0x54: {  	v58 =	vld [tilespmem:s18+$0xFFFFFFE0];
	[tilespmem:s19+$0x2850 ss:$0x81] =	vst.msk $0xffff, v3;
	s28 =	smulhi.u32 $0x147AE15, s21;
	s23 =	ssub.s32 s26, s29;
	s26 =	sand.u32 s30, s7  }
0x55: {  	v59 =	vld [tilespmem:s18+$0xFFFFFFF0];
	[tilespmem:s19+$0x3060 ss:$0x81] =	vst.msk $0xffff, v2;
	s22 =	simm.s32 @p1 $0x0;
	s29 =	sand.u32 $0x78, s9;
	s30 =	sand.u32 $0x380, s27  }
0x56: {  	v60 =	vld [tilespmem:s18+$0x0];
	[tilespmem:s19+$0x0 ss:$0x81] =	vst.msk $0xffff, v1;
	s25 =	ssub.s32 s25, s26;
	s31 =	sadd.s32 $0xFFFFF080, s23;
	s23 =	ssub.s32 $0x1000, s23  }
0x57: {  	v61 =	vld [tilespmem:s18+$0x10];
	[tilespmem:s20+$0x3870 ss:$0x81] =	vst.msk $0xffff, v0;
	s19 =	smul.u32 $0xC8, s28;
	s28 =	sand.u32 $0x7, s9;
	p1 =	sgt.s32 s31, $0x7F  }
0x58: {  	v62 =	vld [tilespmem:s18+$0x20];
	[tilespmem:s20+$0x810 ss:$0x81] =	vst.msk $0xffff, v5;
	s26 =	sadd.s32 $0xFFFFFFB8, s25;
	s31 =	sand.u32 $0xC00, s24;
	s24 =	ssub.s32 $0xC8, s25  }
0x59: {  	v63 =	vld [tilespmem:s18+$0xFFFFFFC0];
	[tilespmem:s20+$0x1020 ss:$0x81] =	vst.msk $0xffff, v58;
	s25 =	smul.u32 $0x19000, s10;
	s23 =	simm.s32 @p1 $0x0;
	p1 =	sgt.s32 s26, $0x7F  }
0x5a: {  	[tilespmem:s20+$0x1830 ss:$0x81] =	vst.msk $0xffff, v59;
	s18 =	sor.u32 s29, s31;
	s19 =	ssub.s32 s21, s19;
	s22 =	smul.u32 s22, s23  }
.Ltmp4:
0x5b: {  	[tilespmem:s20+$0x2040 ss:$0x81] =	vst.msk $0xffff, v60;
	s24 =	simm.s32 @p1 $0x0;
	s18 =	sor.u32 s30, s18;
	(pc) =	sbr.rel .LBB1_5-.Ltmp4, $4  }
0x5c: {  	[tilespmem:s20+$0x2850 ss:$0x81] =	vst.msk $0xffff, v61;
	s27 =	sadd.s32 s2, s25;
	s18 =	sshrl.u32 s18, $0x3;
	s26 =	smul.u32 s24, s22  }
0x5d: {  	[tilespmem:s20+$0x3060 ss:$0x81] =	vst.msk $0xffff, v62;
	s29 =	sshll.u32 s28, $0x12;
	s19 =	sshll.u32 s19, $0x9;
	s18 =	sadd.s32 s18, s27  }
0x5e: {  	[tilespmem:s20+$0x0 ss:$0x81] =	vst.msk $0xffff, v63;
	s31 =	sor.u32 $0x400, s29;
	s18 =	sadd.s32 s19, s18;
	s30 =	sand.u32 $0x3FFFFFFF, s26  }
0x5f: {  	[hbm4b:s18+s31] =	stream.strided.scatter [tilespmem:s17], [sflag:$0x2], s30, s6, s31, $0x20;
	[tilespmem:$0x10100] =	vst v63  }
.LBB1_6:
0x60: {  	_ =	sfence.sel $0x180000  }
0x61: {  	s2 =	simm.s32 $0x1;
	[bflag:$0x0] =	sbarrier.arrive $0xFFFF  }
0x62: {  	s31 =	simm.s32 $0x2;
	[sflag:s2] =	ssyncpa.u1 $0x1  }
0x63: {  	[sflag:s31] =	ssyncpa.u1 $0x1  }
0x64: {  	p0 =	sne.s32 s1, $0x0;
	_ =	strace $0x90000047  }
0x65: {  	s0 =	sadd.s32 @!p0 $0x100000, s0;
	[bflag:$0x2] =	sbarrier.arrive $0xFFFF  }
0x66: {  	[sflag:s0] =	ssyncadd.tile.s32 @!p0 $0x1;
	_ =	shalt  }
.Lfunc_end1:
_tile_overlayer_lowered:
.L_overlay_start_2:
0x67: {  	(tag) =	ssettag $0x2  }
0x68: {  	s0 =	rddreg [dreg:$0x0];
	s2 =	stileid.u32  }
0x69: {  	s1 =	rddreg [dreg:$0x1];
	p0 =	sne.s32 s2, $0x0  }
0x6a: {  	s3 =	rddreg [dreg:$0x2];
	[bflag:$0x3] =	sbarrier.arrive $0xFFFF;
	s2 =	simm.s32 @!p0 $0x1C01  }
0x6b: {  	[timem:s3], [sflag:s2] =	dma.local @!p0 [hbm:s0], s1  }
0x6c: {  	s0 =	simm.s32 @!p0 $0x1  }
0x6d: {  	_ =	swait.ge @!p0 [sflag:s0], s1  }
0x6e: {  	s1 =	ssub.s32 @!p0 $0x0, s1;
	[sflag:s0] =	ssyncset.done @!p0 $0x0  }
0x6f: {  	[sflag:s0] =	ssyncadd.s32 @!p0 s1  }
0x70: {  	[bflag:$0x3] =	sbarrier.arrive $0xFFFF  }
0x71: {  	_ =	shalt  }

</sc_bundles>
